<compile_context>
chip_gen: v7x
topology: tpu7x:2x2x1
jax: 0.10.2.dev20260603
libtpu: 0.0.44.dev20260713+nightly
codegen_flags: <defaults>
</compile_context>

<pallas_src>
import functools

import jax
import jax.numpy as jnp
from jax import lax
from jax.experimental import pallas as pl
from jax.experimental.pallas import tpu as pltpu
from jax.experimental.pallas import tpu_sc as plsc

CLIP = 64


def _build_band_kernel(table_ref, e_ref, *, S, C, D):
    e_ref[0 : S - C, :] = jnp.broadcast_to(table_ref[0:1, :], (S - C, D))
    e_ref[S - C : S - 1 + C, :] = table_ref[1 : 2 * C, :]
    e_ref[S - 1 + C :, :] = jnp.broadcast_to(table_ref[2 * C : 2 * C + 1, :], (S - C + 1, D))


def _make_sc_window_kernel(S, D, NC, NS):
    n_rows = S // (NC * NS)
    CW = 512
    n_chunks = S // CW
    K = 16
    mesh = plsc.VectorSubcoreMesh(core_axis_name="c", subcore_axis_name="s")

    @functools.partial(
        pl.kernel,
        out_type=jax.ShapeDtypeStruct((S, S, D), jnp.float32),
        mesh=mesh,
        scratch_types=[
            pltpu.VMEM((CW + n_rows, D), jnp.float32),
            pltpu.SemaphoreType.DMA,
            pltpu.SemaphoreType.DMA,
        ],
    )
    def sc_kernel(e_hbm, out_hbm, buf, sem_in, sem):
        cid = lax.axis_index("c")
        sid = lax.axis_index("s")

        wid = sid * NC + cid
        base = wid * n_rows

        def mk_wait():
            return pltpu.make_async_copy(
                buf.at[pl.ds(0, CW), :], out_hbm.at[0, pl.ds(0, CW), :], sem
            )

        for c in range(n_chunks):
            src_lo = pl.multiple_of(S - n_rows - base + c * CW, 8)
            pltpu.make_async_copy(
                e_hbm.at[pl.ds(src_lo, CW + n_rows), :], buf, sem_in
            ).start()
            pltpu.make_async_copy(
                e_hbm.at[pl.ds(src_lo, CW + n_rows), :], buf, sem_in
            ).wait()

            def body(t, _):
                @pl.when(t >= K)
                def _():
                    mk_wait().wait()

                r = base + t
                pltpu.make_async_copy(
                    buf.at[pl.ds(n_rows - 1 - t, CW), :],
                    out_hbm.at[r, pl.ds(c * CW, CW), :],
                    sem,
                ).start()
                return 0

            lax.fori_loop(0, n_rows, body, 0)

            def drain(k, _):
                mk_wait().wait()
                return 0

            lax.fori_loop(0, K, drain, 0)

    return sc_kernel


def _rel_pos_encoding(table, S, C, D, interpret=False):
    band = pl.pallas_call(
        lambda t, e: _build_band_kernel(t, e, S=S, C=C, D=D),
        in_specs=[pl.BlockSpec(memory_space=pltpu.VMEM)],
        out_specs=pl.BlockSpec(memory_space=pltpu.VMEM),
        out_shape=jax.ShapeDtypeStruct((2 * S, D), table.dtype),
        interpret=interpret,
    )(table)
    sc_kernel = _make_sc_window_kernel(S, D, 2, 16)
    return sc_kernel(band)


def kernel(x, encoding_matrix):
    S = x.shape[1]
    D = encoding_matrix.shape[1]
    return _rel_pos_encoding(encoding_matrix, S, CLIP, D)

# --- scband reference (transcript-rebuilt; emitter-appended) ---
"""Pipeline reference for scband-self-att-rel-pos-encoding-v1-33706903339716 (READ-ONLY COPY).

The authoritative reference and input builder live on the scoring server;
editing this copy changes nothing except your own understanding.
"""

import jax, jax.numpy as jnp
import numpy as np

CLIPPING = 64
OUT_DIM = 64

def setup_inputs(seed: int = 0) -> dict:
    key = jax.random.key(seed)
    k1, k2 = jax.random.split(key)
    x = jax.random.normal(k1, (1, 2048, 1024), dtype=jnp.float32)
    # xavier_uniform for encoding_matrix of shape (2*clipping+1, out_dim)
    fan_in, fan_out = 2 * CLIPPING + 1, OUT_DIM
    limit = float(np.sqrt(6.0 / (fan_in + fan_out)))
    encoding_matrix = jax.random.uniform(k2, (2 * CLIPPING + 1, OUT_DIM), dtype=jnp.float32, minval=-limit, maxval=limit)
    return {"x": x, "encoding_matrix": encoding_matrix}

def reference(x, encoding_matrix):
    S = x.shape[1]
    position = jnp.arange(S, dtype=jnp.int64 if jax.config.jax_enable_x64 else jnp.int32)
    distance_mat = position[None, :] - position[:, None]
    distance_mat_clipped = jnp.clip(distance_mat, -CLIPPING, CLIPPING)
    pos_distance_mat_clipped = distance_mat_clipped + CLIPPING
    # gather rows of the relative-position embedding table -> [S, S, out_dim]
    return jnp.take(encoding_matrix, pos_distance_mat_clipped, axis=0)

if __name__ == "__main__":
    import jax
    _d = setup_inputs()
    print(jax.jit(kernel)(*tuple(_d.values())))

</pallas_src>

<mosaic_0001>
#map = affine_map<(d0, d1) -> (0, 0)>
#map1 = affine_map<(d0, d1) -> (0, 0, 0)>
module attributes {stable_mosaic.version = 14 : i64} {
  func.func @sc_kernel(%arg0: i32, %arg1: i32, %arg2: memref<4096x64xf32, #tpu.memory_space<hbm>>, %arg3: memref<2048x2048x64xf32, #tpu.memory_space<hbm>>, %arg4: memref<576x64xf32, #tpu.memory_space<vmem>>, %arg5: memref<!tpu.dma_semaphore, #tpu.memory_space<semaphore_mem>>, %arg6: memref<!tpu.dma_semaphore, #tpu.memory_space<semaphore_mem>>) attributes {dimension_semantics = [#tpu.dimension_semantics<core_parallel>, #tpu.dimension_semantics<subcore_parallel>], iteration_bounds = array<i64: 2, 16>, scalar_prefetch = 0 : i64, scratch_operands = 3 : i64, tpu.core_type = #tpu.core_type<sc_vector_subcore>, window_params = [{transform_indices = #map}, {transform_indices = #map1}]} {
    %mul3A = arith.constant 2 : i32
    %mul3A_0 = arith.muli %arg1, %mul3A : i32
    %add3A = arith.addi %mul3A_0, %arg0 : i32
    %mul3A_1 = arith.constant 64 : i32
    %mul3A_2 = arith.muli %add3A, %mul3A_1 : i32
    %sub3A = arith.constant 1984 : i32
    %sub3A_3 = arith.subi %sub3A, %mul3A_2 : i32
    %add3A_4 = arith.constant 0 : i32
    %add3A_5 = arith.addi %sub3A_3, %add3A_4 : i32
    %multiple_of3A = tpu.assume_multiple %add3A_5, 8 : i32
    %dma_start3A = arith.constant 0 : i32
    %dma_start3A_6 = tpu.memref_slice %arg2[%multiple_of3A, %dma_start3A] : memref<4096x64xf32, #tpu.memory_space<hbm>> -> memref<576x64xf32, #tpu.memory_space<hbm>>
    %dma_start3A_7 = arith.constant 0 : i32
    %dma_start3A_8 = tpu.memref_slice %arg2[%multiple_of3A, %dma_start3A_7] : memref<4096x64xf32, #tpu.memory_space<hbm>> -> memref<576x64xf32, #tpu.memory_space<hbm>>
    tpu.enqueue_dma source(%dma_start3A_8 : memref<576x64xf32, #tpu.memory_space<hbm>>) target(%arg4 : memref<576x64xf32, #tpu.memory_space<vmem>>) target_semaphore(%arg5 : memref<!tpu.dma_semaphore, #tpu.memory_space<semaphore_mem>>)
    %dma_wait3A = arith.constant 0 : i32
    %dma_wait3A_9 = tpu.memref_slice %arg2[%multiple_of3A, %dma_wait3A] : memref<4096x64xf32, #tpu.memory_space<hbm>> -> memref<576x64xf32, #tpu.memory_space<hbm>>
    %dma_wait3A_10 = arith.constant 0 : i32
    %dma_wait3A_11 = tpu.memref_slice %arg2[%multiple_of3A, %dma_wait3A_10] : memref<4096x64xf32, #tpu.memory_space<hbm>> -> memref<576x64xf32, #tpu.memory_space<hbm>>
    tpu.wait_dma2 semaphore(%arg5 : memref<!tpu.dma_semaphore, #tpu.memory_space<semaphore_mem>>) src(%dma_wait3A_11 : memref<576x64xf32, #tpu.memory_space<hbm>>) dst(%arg4 : memref<576x64xf32, #tpu.memory_space<vmem>>)
    %scan3A = arith.constant 0 : i32
    %scan3A_12 = arith.constant 0 : i32
    %scan3A_13 = arith.constant 64 : i32
    %scan3A_14 = arith.addi %scan3A_12, %scan3A_13 : i32
    %scan3A_15 = arith.constant 1 : i32
    %scan3A_16 = scf.for %scan3A_106 = %scan3A_12 to %scan3A_14 step %scan3A_15 iter_args(%scan3A_107 = %scan3A) -> (i32)  : i32 {
      %ge3A = arith.constant 16 : i32
      %ge3A_108 = arith.cmpi sge, %scan3A_106, %ge3A : i32
      %convert_element_type3A = arith.extui %ge3A_108 : i1 to i32
      %cond3A = arith.constant 0 : i32
      %cond3A_109 = arith.cmpi ne, %convert_element_type3A, %cond3A : i32
      scf.if %cond3A_109 {
        %dma_wait3A_126 = arith.constant 0 : i32
        %dma_wait3A_127 = arith.constant 0 : i32
        %dma_wait3A_128 = arith.constant 0 : i32
        %dma_wait3A_129 = tpu.memref_slice %arg4[%dma_wait3A_127, %dma_wait3A_128] : memref<576x64xf32, #tpu.memory_space<vmem>> -> memref<512x64xf32, #tpu.memory_space<vmem>>
        %dma_wait3A_130 = arith.constant 0 : i32
        %dma_wait3A_131 = arith.constant 0 : i32
        %dma_wait3A_132 = tpu.memref_slice %arg3[%dma_wait3A_126, %dma_wait3A_130, %dma_wait3A_131] : memref<2048x2048x64xf32, #tpu.memory_space<hbm>> -> memref<1x512x64xf32, #tpu.memory_space<hbm>>
        %dma_wait3A_133 = tpu.memref_squeeze %dma_wait3A_132 : memref<1x512x64xf32, #tpu.memory_space<hbm>> -> memref<512x64xf32, #tpu.memory_space<hbm>>
        %dma_wait3A_134 = arith.constant 0 : i32
        %dma_wait3A_135 = arith.constant 0 : i32
        %dma_wait3A_136 = tpu.memref_slice %arg3[%dma_wait3A_126, %dma_wait3A_134, %dma_wait3A_135] : memref<2048x2048x64xf32, #tpu.memory_space<hbm>> -> memref<1x512x64xf32, #tpu.memory_space<hbm>>
        %dma_wait3A_137 = tpu.memref_squeeze %dma_wait3A_136 : memref<1x512x64xf32, #tpu.memory_space<hbm>> -> memref<512x64xf32, #tpu.memory_space<hbm>>
        %dma_wait3A_138 = arith.constant 0 : i32
        %dma_wait3A_139 = arith.constant 0 : i32
        %dma_wait3A_140 = tpu.memref_slice %arg4[%dma_wait3A_138, %dma_wait3A_139] : memref<576x64xf32, #tpu.memory_space<vmem>> -> memref<512x64xf32, #tpu.memory_space<vmem>>
        tpu.wait_dma2 semaphore(%arg6 : memref<!tpu.dma_semaphore, #tpu.memory_space<semaphore_mem>>) src(%dma_wait3A_140 : memref<512x64xf32, #tpu.memory_space<vmem>>) dst(%dma_wait3A_137 : memref<512x64xf32, #tpu.memory_space<hbm>>)
      } else {
      }
      %add3A_110 = arith.addi %mul3A_2, %scan3A_106 : i32
      %sub3A_111 = arith.constant 63 : i32
      %sub3A_112 = arith.subi %sub3A_111, %scan3A_106 : i32
      %dma_start3A_113 = arith.constant 0 : i32
      %dma_start3A_114 = tpu.memref_slice %arg4[%sub3A_112, %dma_start3A_113] : memref<576x64xf32, #tpu.memory_space<vmem>> -> memref<512x64xf32, #tpu.memory_space<vmem>>
      %dma_start3A_115 = arith.constant 0 : i32
      %dma_start3A_116 = arith.constant 0 : i32
      %dma_start3A_117 = tpu.memref_slice %arg3[%add3A_110, %dma_start3A_115, %dma_start3A_116] : memref<2048x2048x64xf32, #tpu.memory_space<hbm>> -> memref<1x512x64xf32, #tpu.memory_space<hbm>>
      %dma_start3A_118 = tpu.memref_squeeze %dma_start3A_117 : memref<1x512x64xf32, #tpu.memory_space<hbm>> -> memref<512x64xf32, #tpu.memory_space<hbm>>
      %dma_start3A_119 = arith.constant 0 : i32
      %dma_start3A_120 = arith.constant 0 : i32
      %dma_start3A_121 = tpu.memref_slice %arg3[%add3A_110, %dma_start3A_119, %dma_start3A_120] : memref<2048x2048x64xf32, #tpu.memory_space<hbm>> -> memref<1x512x64xf32, #tpu.memory_space<hbm>>
      %dma_start3A_122 = tpu.memref_squeeze %dma_start3A_121 : memref<1x512x64xf32, #tpu.memory_space<hbm>> -> memref<512x64xf32, #tpu.memory_space<hbm>>
      %dma_start3A_123 = arith.constant 0 : i32
      %dma_start3A_124 = tpu.memref_slice %arg4[%sub3A_112, %dma_start3A_123] : memref<576x64xf32, #tpu.memory_space<vmem>> -> memref<512x64xf32, #tpu.memory_space<vmem>>
      tpu.enqueue_dma source(%dma_start3A_124 : memref<512x64xf32, #tpu.memory_space<vmem>>) target(%dma_start3A_122 : memref<512x64xf32, #tpu.memory_space<hbm>>) target_semaphore(%arg6 : memref<!tpu.dma_semaphore, #tpu.memory_space<semaphore_mem>>)
      %scan3A_125 = arith.constant 0 : i32
      scf.yield %scan3A_125 : i32
    }
    %scan3A_17 = arith.constant 64 : i32
    %scan3A_18 = arith.constant 0 : i32
    %scan3A_19 = arith.constant 0 : i32
    %scan3A_20 = arith.constant 16 : i32
    %scan3A_21 = arith.addi %scan3A_19, %scan3A_20 : i32
    %scan3A_22 = arith.constant 1 : i32
    %scan3A_23 = scf.for %scan3A_106 = %scan3A_19 to %scan3A_21 step %scan3A_22 iter_args(%scan3A_107 = %scan3A_18) -> (i32)  : i32 {
      %dma_wait3A_108 = arith.constant 0 : i32
      %dma_wait3A_109 = arith.constant 0 : i32
      %dma_wait3A_110 = arith.constant 0 : i32
      %dma_wait3A_111 = tpu.memref_slice %arg4[%dma_wait3A_109, %dma_wait3A_110] : memref<576x64xf32, #tpu.memory_space<vmem>> -> memref<512x64xf32, #tpu.memory_space<vmem>>
      %dma_wait3A_112 = arith.constant 0 : i32
      %dma_wait3A_113 = arith.constant 0 : i32
      %dma_wait3A_114 = tpu.memref_slice %arg3[%dma_wait3A_108, %dma_wait3A_112, %dma_wait3A_113] : memref<2048x2048x64xf32, #tpu.memory_space<hbm>> -> memref<1x512x64xf32, #tpu.memory_space<hbm>>
      %dma_wait3A_115 = tpu.memref_squeeze %dma_wait3A_114 : memref<1x512x64xf32, #tpu.memory_space<hbm>> -> memref<512x64xf32, #tpu.memory_space<hbm>>
      %dma_wait3A_116 = arith.constant 0 : i32
      %dma_wait3A_117 = arith.constant 0 : i32
      %dma_wait3A_118 = tpu.memref_slice %arg3[%dma_wait3A_108, %dma_wait3A_116, %dma_wait3A_117] : memref<2048x2048x64xf32, #tpu.memory_space<hbm>> -> memref<1x512x64xf32, #tpu.memory_space<hbm>>
      %dma_wait3A_119 = tpu.memref_squeeze %dma_wait3A_118 : memref<1x512x64xf32, #tpu.memory_space<hbm>> -> memref<512x64xf32, #tpu.memory_space<hbm>>
      %dma_wait3A_120 = arith.constant 0 : i32
      %dma_wait3A_121 = arith.constant 0 : i32
      %dma_wait3A_122 = tpu.memref_slice %arg4[%dma_wait3A_120, %dma_wait3A_121] : memref<576x64xf32, #tpu.memory_space<vmem>> -> memref<512x64xf32, #tpu.memory_space<vmem>>
      tpu.wait_dma2 semaphore(%arg6 : memref<!tpu.dma_semaphore, #tpu.memory_space<semaphore_mem>>) src(%dma_wait3A_122 : memref<512x64xf32, #tpu.memory_space<vmem>>) dst(%dma_wait3A_119 : memref<512x64xf32, #tpu.memory_space<hbm>>)
      %scan3A_123 = arith.constant 0 : i32
      scf.yield %scan3A_123 : i32
    }
    %scan3A_24 = arith.constant 16 : i32
    %sub3A_25 = arith.constant 1984 : i32
    %sub3A_26 = arith.subi %sub3A_25, %mul3A_2 : i32
    %add3A_27 = arith.constant 512 : i32
    %add3A_28 = arith.addi %sub3A_26, %add3A_27 : i32
    %multiple_of3A_29 = tpu.assume_multiple %add3A_28, 8 : i32
    %dma_start3A_30 = arith.constant 0 : i32
    %dma_start3A_31 = tpu.memref_slice %arg2[%multiple_of3A_29, %dma_start3A_30] : memref<4096x64xf32, #tpu.memory_space<hbm>> -> memref<576x64xf32, #tpu.memory_space<hbm>>
    %dma_start3A_32 = arith.constant 0 : i32
    %dma_start3A_33 = tpu.memref_slice %arg2[%multiple_of3A_29, %dma_start3A_32] : memref<4096x64xf32, #tpu.memory_space<hbm>> -> memref<576x64xf32, #tpu.memory_space<hbm>>
    tpu.enqueue_dma source(%dma_start3A_33 : memref<576x64xf32, #tpu.memory_space<hbm>>) target(%arg4 : memref<576x64xf32, #tpu.memory_space<vmem>>) target_semaphore(%arg5 : memref<!tpu.dma_semaphore, #tpu.memory_space<semaphore_mem>>)
    %dma_wait3A_34 = arith.constant 0 : i32
    %dma_wait3A_35 = tpu.memref_slice %arg2[%multiple_of3A_29, %dma_wait3A_34] : memref<4096x64xf32, #tpu.memory_space<hbm>> -> memref<576x64xf32, #tpu.memory_space<hbm>>
    %dma_wait3A_36 = arith.constant 0 : i32
    %dma_wait3A_37 = tpu.memref_slice %arg2[%multiple_of3A_29, %dma_wait3A_36] : memref<4096x64xf32, #tpu.memory_space<hbm>> -> memref<576x64xf32, #tpu.memory_space<hbm>>
    tpu.wait_dma2 semaphore(%arg5 : memref<!tpu.dma_semaphore, #tpu.memory_space<semaphore_mem>>) src(%dma_wait3A_37 : memref<576x64xf32, #tpu.memory_space<hbm>>) dst(%arg4 : memref<576x64xf32, #tpu.memory_space<vmem>>)
    %scan3A_38 = arith.constant 0 : i32
    %scan3A_39 = arith.constant 0 : i32
    %scan3A_40 = arith.constant 64 : i32
    %scan3A_41 = arith.addi %scan3A_39, %scan3A_40 : i32
    %scan3A_42 = arith.constant 1 : i32
    %scan3A_43 = scf.for %scan3A_106 = %scan3A_39 to %scan3A_41 step %scan3A_42 iter_args(%scan3A_107 = %scan3A_38) -> (i32)  : i32 {
      %ge3A = arith.constant 16 : i32
      %ge3A_108 = arith.cmpi sge, %scan3A_106, %ge3A : i32
      %convert_element_type3A = arith.extui %ge3A_108 : i1 to i32
      %cond3A = arith.constant 0 : i32
      %cond3A_109 = arith.cmpi ne, %convert_element_type3A, %cond3A : i32
      scf.if %cond3A_109 {
        %dma_wait3A_126 = arith.constant 0 : i32
        %dma_wait3A_127 = arith.constant 0 : i32
        %dma_wait3A_128 = arith.constant 0 : i32
        %dma_wait3A_129 = tpu.memref_slice %arg4[%dma_wait3A_127, %dma_wait3A_128] : memref<576x64xf32, #tpu.memory_space<vmem>> -> memref<512x64xf32, #tpu.memory_space<vmem>>
        %dma_wait3A_130 = arith.constant 0 : i32
        %dma_wait3A_131 = arith.constant 0 : i32
        %dma_wait3A_132 = tpu.memref_slice %arg3[%dma_wait3A_126, %dma_wait3A_130, %dma_wait3A_131] : memref<2048x2048x64xf32, #tpu.memory_space<hbm>> -> memref<1x512x64xf32, #tpu.memory_space<hbm>>
        %dma_wait3A_133 = tpu.memref_squeeze %dma_wait3A_132 : memref<1x512x64xf32, #tpu.memory_space<hbm>> -> memref<512x64xf32, #tpu.memory_space<hbm>>
        %dma_wait3A_134 = arith.constant 0 : i32
        %dma_wait3A_135 = arith.constant 0 : i32
        %dma_wait3A_136 = tpu.memref_slice %arg3[%dma_wait3A_126, %dma_wait3A_134, %dma_wait3A_135] : memref<2048x2048x64xf32, #tpu.memory_space<hbm>> -> memref<1x512x64xf32, #tpu.memory_space<hbm>>
        %dma_wait3A_137 = tpu.memref_squeeze %dma_wait3A_136 : memref<1x512x64xf32, #tpu.memory_space<hbm>> -> memref<512x64xf32, #tpu.memory_space<hbm>>
        %dma_wait3A_138 = arith.constant 0 : i32
        %dma_wait3A_139 = arith.constant 0 : i32
        %dma_wait3A_140 = tpu.memref_slice %arg4[%dma_wait3A_138, %dma_wait3A_139] : memref<576x64xf32, #tpu.memory_space<vmem>> -> memref<512x64xf32, #tpu.memory_space<vmem>>
        tpu.wait_dma2 semaphore(%arg6 : memref<!tpu.dma_semaphore, #tpu.memory_space<semaphore_mem>>) src(%dma_wait3A_140 : memref<512x64xf32, #tpu.memory_space<vmem>>) dst(%dma_wait3A_137 : memref<512x64xf32, #tpu.memory_space<hbm>>)
      } else {
      }
      %add3A_110 = arith.addi %mul3A_2, %scan3A_106 : i32
      %sub3A_111 = arith.constant 63 : i32
      %sub3A_112 = arith.subi %sub3A_111, %scan3A_106 : i32
      %dma_start3A_113 = arith.constant 0 : i32
      %dma_start3A_114 = tpu.memref_slice %arg4[%sub3A_112, %dma_start3A_113] : memref<576x64xf32, #tpu.memory_space<vmem>> -> memref<512x64xf32, #tpu.memory_space<vmem>>
      %dma_start3A_115 = arith.constant 512 : i32
      %dma_start3A_116 = arith.constant 0 : i32
      %dma_start3A_117 = tpu.memref_slice %arg3[%add3A_110, %dma_start3A_115, %dma_start3A_116] : memref<2048x2048x64xf32, #tpu.memory_space<hbm>> -> memref<1x512x64xf32, #tpu.memory_space<hbm>>
      %dma_start3A_118 = tpu.memref_squeeze %dma_start3A_117 : memref<1x512x64xf32, #tpu.memory_space<hbm>> -> memref<512x64xf32, #tpu.memory_space<hbm>>
      %dma_start3A_119 = arith.constant 512 : i32
      %dma_start3A_120 = arith.constant 0 : i32
      %dma_start3A_121 = tpu.memref_slice %arg3[%add3A_110, %dma_start3A_119, %dma_start3A_120] : memref<2048x2048x64xf32, #tpu.memory_space<hbm>> -> memref<1x512x64xf32, #tpu.memory_space<hbm>>
      %dma_start3A_122 = tpu.memref_squeeze %dma_start3A_121 : memref<1x512x64xf32, #tpu.memory_space<hbm>> -> memref<512x64xf32, #tpu.memory_space<hbm>>
      %dma_start3A_123 = arith.constant 0 : i32
      %dma_start3A_124 = tpu.memref_slice %arg4[%sub3A_112, %dma_start3A_123] : memref<576x64xf32, #tpu.memory_space<vmem>> -> memref<512x64xf32, #tpu.memory_space<vmem>>
      tpu.enqueue_dma source(%dma_start3A_124 : memref<512x64xf32, #tpu.memory_space<vmem>>) target(%dma_start3A_122 : memref<512x64xf32, #tpu.memory_space<hbm>>) target_semaphore(%arg6 : memref<!tpu.dma_semaphore, #tpu.memory_space<semaphore_mem>>)
      %scan3A_125 = arith.constant 0 : i32
      scf.yield %scan3A_125 : i32
    }
    %scan3A_44 = arith.constant 64 : i32
    %scan3A_45 = arith.constant 0 : i32
    %scan3A_46 = arith.constant 0 : i32
    %scan3A_47 = arith.constant 16 : i32
    %scan3A_48 = arith.addi %scan3A_46, %scan3A_47 : i32
    %scan3A_49 = arith.constant 1 : i32
    %scan3A_50 = scf.for %scan3A_106 = %scan3A_46 to %scan3A_48 step %scan3A_49 iter_args(%scan3A_107 = %scan3A_45) -> (i32)  : i32 {
      %dma_wait3A_108 = arith.constant 0 : i32
      %dma_wait3A_109 = arith.constant 0 : i32
      %dma_wait3A_110 = arith.constant 0 : i32
      %dma_wait3A_111 = tpu.memref_slice %arg4[%dma_wait3A_109, %dma_wait3A_110] : memref<576x64xf32, #tpu.memory_space<vmem>> -> memref<512x64xf32, #tpu.memory_space<vmem>>
      %dma_wait3A_112 = arith.constant 0 : i32
      %dma_wait3A_113 = arith.constant 0 : i32
      %dma_wait3A_114 = tpu.memref_slice %arg3[%dma_wait3A_108, %dma_wait3A_112, %dma_wait3A_113] : memref<2048x2048x64xf32, #tpu.memory_space<hbm>> -> memref<1x512x64xf32, #tpu.memory_space<hbm>>
      %dma_wait3A_115 = tpu.memref_squeeze %dma_wait3A_114 : memref<1x512x64xf32, #tpu.memory_space<hbm>> -> memref<512x64xf32, #tpu.memory_space<hbm>>
      %dma_wait3A_116 = arith.constant 0 : i32
      %dma_wait3A_117 = arith.constant 0 : i32
      %dma_wait3A_118 = tpu.memref_slice %arg3[%dma_wait3A_108, %dma_wait3A_116, %dma_wait3A_117] : memref<2048x2048x64xf32, #tpu.memory_space<hbm>> -> memref<1x512x64xf32, #tpu.memory_space<hbm>>
      %dma_wait3A_119 = tpu.memref_squeeze %dma_wait3A_118 : memref<1x512x64xf32, #tpu.memory_space<hbm>> -> memref<512x64xf32, #tpu.memory_space<hbm>>
      %dma_wait3A_120 = arith.constant 0 : i32
      %dma_wait3A_121 = arith.constant 0 : i32
      %dma_wait3A_122 = tpu.memref_slice %arg4[%dma_wait3A_120, %dma_wait3A_121] : memref<576x64xf32, #tpu.memory_space<vmem>> -> memref<512x64xf32, #tpu.memory_space<vmem>>
      tpu.wait_dma2 semaphore(%arg6 : memref<!tpu.dma_semaphore, #tpu.memory_space<semaphore_mem>>) src(%dma_wait3A_122 : memref<512x64xf32, #tpu.memory_space<vmem>>) dst(%dma_wait3A_119 : memref<512x64xf32, #tpu.memory_space<hbm>>)
      %scan3A_123 = arith.constant 0 : i32
      scf.yield %scan3A_123 : i32
    }
    %scan3A_51 = arith.constant 16 : i32
    %sub3A_52 = arith.constant 1984 : i32
    %sub3A_53 = arith.subi %sub3A_52, %mul3A_2 : i32
    %add3A_54 = arith.constant 1024 : i32
    %add3A_55 = arith.addi %sub3A_53, %add3A_54 : i32
    %multiple_of3A_56 = tpu.assume_multiple %add3A_55, 8 : i32
    %dma_start3A_57 = arith.constant 0 : i32
    %dma_start3A_58 = tpu.memref_slice %arg2[%multiple_of3A_56, %dma_start3A_57] : memref<4096x64xf32, #tpu.memory_space<hbm>> -> memref<576x64xf32, #tpu.memory_space<hbm>>
    %dma_start3A_59 = arith.constant 0 : i32
    %dma_start3A_60 = tpu.memref_slice %arg2[%multiple_of3A_56, %dma_start3A_59] : memref<4096x64xf32, #tpu.memory_space<hbm>> -> memref<576x64xf32, #tpu.memory_space<hbm>>
    tpu.enqueue_dma source(%dma_start3A_60 : memref<576x64xf32, #tpu.memory_space<hbm>>) target(%arg4 : memref<576x64xf32, #tpu.memory_space<vmem>>) target_semaphore(%arg5 : memref<!tpu.dma_semaphore, #tpu.memory_space<semaphore_mem>>)
    %dma_wait3A_61 = arith.constant 0 : i32
    %dma_wait3A_62 = tpu.memref_slice %arg2[%multiple_of3A_56, %dma_wait3A_61] : memref<4096x64xf32, #tpu.memory_space<hbm>> -> memref<576x64xf32, #tpu.memory_space<hbm>>
    %dma_wait3A_63 = arith.constant 0 : i32
    %dma_wait3A_64 = tpu.memref_slice %arg2[%multiple_of3A_56, %dma_wait3A_63] : memref<4096x64xf32, #tpu.memory_space<hbm>> -> memref<576x64xf32, #tpu.memory_space<hbm>>
    tpu.wait_dma2 semaphore(%arg5 : memref<!tpu.dma_semaphore, #tpu.memory_space<semaphore_mem>>) src(%dma_wait3A_64 : memref<576x64xf32, #tpu.memory_space<hbm>>) dst(%arg4 : memref<576x64xf32, #tpu.memory_space<vmem>>)
    %scan3A_65 = arith.constant 0 : i32
    %scan3A_66 = arith.constant 0 : i32
    %scan3A_67 = arith.constant 64 : i32
    %scan3A_68 = arith.addi %scan3A_66, %scan3A_67 : i32
    %scan3A_69 = arith.constant 1 : i32
    %scan3A_70 = scf.for %scan3A_106 = %scan3A_66 to %scan3A_68 step %scan3A_69 iter_args(%scan3A_107 = %scan3A_65) -> (i32)  : i32 {
      %ge3A = arith.constant 16 : i32
      %ge3A_108 = arith.cmpi sge, %scan3A_106, %ge3A : i32
      %convert_element_type3A = arith.extui %ge3A_108 : i1 to i32
      %cond3A = arith.constant 0 : i32
      %cond3A_109 = arith.cmpi ne, %convert_element_type3A, %cond3A : i32
      scf.if %cond3A_109 {
        %dma_wait3A_126 = arith.constant 0 : i32
        %dma_wait3A_127 = arith.constant 0 : i32
        %dma_wait3A_128 = arith.constant 0 : i32
        %dma_wait3A_129 = tpu.memref_slice %arg4[%dma_wait3A_127, %dma_wait3A_128] : memref<576x64xf32, #tpu.memory_space<vmem>> -> memref<512x64xf32, #tpu.memory_space<vmem>>
        %dma_wait3A_130 = arith.constant 0 : i32
        %dma_wait3A_131 = arith.constant 0 : i32
        %dma_wait3A_132 = tpu.memref_slice %arg3[%dma_wait3A_126, %dma_wait3A_130, %dma_wait3A_131] : memref<2048x2048x64xf32, #tpu.memory_space<hbm>> -> memref<1x512x64xf32, #tpu.memory_space<hbm>>
        %dma_wait3A_133 = tpu.memref_squeeze %dma_wait3A_132 : memref<1x512x64xf32, #tpu.memory_space<hbm>> -> memref<512x64xf32, #tpu.memory_space<hbm>>
        %dma_wait3A_134 = arith.constant 0 : i32
        %dma_wait3A_135 = arith.constant 0 : i32
        %dma_wait3A_136 = tpu.memref_slice %arg3[%dma_wait3A_126, %dma_wait3A_134, %dma_wait3A_135] : memref<2048x2048x64xf32, #tpu.memory_space<hbm>> -> memref<1x512x64xf32, #tpu.memory_space<hbm>>
        %dma_wait3A_137 = tpu.memref_squeeze %dma_wait3A_136 : memref<1x512x64xf32, #tpu.memory_space<hbm>> -> memref<512x64xf32, #tpu.memory_space<hbm>>
        %dma_wait3A_138 = arith.constant 0 : i32
        %dma_wait3A_139 = arith.constant 0 : i32
        %dma_wait3A_140 = tpu.memref_slice %arg4[%dma_wait3A_138, %dma_wait3A_139] : memref<576x64xf32, #tpu.memory_space<vmem>> -> memref<512x64xf32, #tpu.memory_space<vmem>>
        tpu.wait_dma2 semaphore(%arg6 : memref<!tpu.dma_semaphore, #tpu.memory_space<semaphore_mem>>) src(%dma_wait3A_140 : memref<512x64xf32, #tpu.memory_space<vmem>>) dst(%dma_wait3A_137 : memref<512x64xf32, #tpu.memory_space<hbm>>)
      } else {
      }
      %add3A_110 = arith.addi %mul3A_2, %scan3A_106 : i32
      %sub3A_111 = arith.constant 63 : i32
      %sub3A_112 = arith.subi %sub3A_111, %scan3A_106 : i32
      %dma_start3A_113 = arith.constant 0 : i32
      %dma_start3A_114 = tpu.memref_slice %arg4[%sub3A_112, %dma_start3A_113] : memref<576x64xf32, #tpu.memory_space<vmem>> -> memref<512x64xf32, #tpu.memory_space<vmem>>
      %dma_start3A_115 = arith.constant 1024 : i32
      %dma_start3A_116 = arith.constant 0 : i32
      %dma_start3A_117 = tpu.memref_slice %arg3[%add3A_110, %dma_start3A_115, %dma_start3A_116] : memref<2048x2048x64xf32, #tpu.memory_space<hbm>> -> memref<1x512x64xf32, #tpu.memory_space<hbm>>
      %dma_start3A_118 = tpu.memref_squeeze %dma_start3A_117 : memref<1x512x64xf32, #tpu.memory_space<hbm>> -> memref<512x64xf32, #tpu.memory_space<hbm>>
      %dma_start3A_119 = arith.constant 1024 : i32
      %dma_start3A_120 = arith.constant 0 : i32
      %dma_start3A_121 = tpu.memref_slice %arg3[%add3A_110, %dma_start3A_119, %dma_start3A_120] : memref<2048x2048x64xf32, #tpu.memory_space<hbm>> -> memref<1x512x64xf32, #tpu.memory_space<hbm>>
      %dma_start3A_122 = tpu.memref_squeeze %dma_start3A_121 : memref<1x512x64xf32, #tpu.memory_space<hbm>> -> memref<512x64xf32, #tpu.memory_space<hbm>>
      %dma_start3A_123 = arith.constant 0 : i32
      %dma_start3A_124 = tpu.memref_slice %arg4[%sub3A_112, %dma_start3A_123] : memref<576x64xf32, #tpu.memory_space<vmem>> -> memref<512x64xf32, #tpu.memory_space<vmem>>
      tpu.enqueue_dma source(%dma_start3A_124 : memref<512x64xf32, #tpu.memory_space<vmem>>) target(%dma_start3A_122 : memref<512x64xf32, #tpu.memory_space<hbm>>) target_semaphore(%arg6 : memref<!tpu.dma_semaphore, #tpu.memory_space<semaphore_mem>>)
      %scan3A_125 = arith.constant 0 : i32
      scf.yield %scan3A_125 : i32
    }
    %scan3A_71 = arith.constant 64 : i32
    %scan3A_72 = arith.constant 0 : i32
    %scan3A_73 = arith.constant 0 : i32
    %scan3A_74 = arith.constant 16 : i32
    %scan3A_75 = arith.addi %scan3A_73, %scan3A_74 : i32
    %scan3A_76 = arith.constant 1 : i32
    %scan3A_77 = scf.for %scan3A_106 = %scan3A_73 to %scan3A_75 step %scan3A_76 iter_args(%scan3A_107 = %scan3A_72) -> (i32)  : i32 {
      %dma_wait3A_108 = arith.constant 0 : i32
      %dma_wait3A_109 = arith.constant 0 : i32
      %dma_wait3A_110 = arith.constant 0 : i32
      %dma_wait3A_111 = tpu.memref_slice %arg4[%dma_wait3A_109, %dma_wait3A_110] : memref<576x64xf32, #tpu.memory_space<vmem>> -> memref<512x64xf32, #tpu.memory_space<vmem>>
      %dma_wait3A_112 = arith.constant 0 : i32
      %dma_wait3A_113 = arith.constant 0 : i32
      %dma_wait3A_114 = tpu.memref_slice %arg3[%dma_wait3A_108, %dma_wait3A_112, %dma_wait3A_113] : memref<2048x2048x64xf32, #tpu.memory_space<hbm>> -> memref<1x512x64xf32, #tpu.memory_space<hbm>>
      %dma_wait3A_115 = tpu.memref_squeeze %dma_wait3A_114 : memref<1x512x64xf32, #tpu.memory_space<hbm>> -> memref<512x64xf32, #tpu.memory_space<hbm>>
      %dma_wait3A_116 = arith.constant 0 : i32
      %dma_wait3A_117 = arith.constant 0 : i32
      %dma_wait3A_118 = tpu.memref_slice %arg3[%dma_wait3A_108, %dma_wait3A_116, %dma_wait3A_117] : memref<2048x2048x64xf32, #tpu.memory_space<hbm>> -> memref<1x512x64xf32, #tpu.memory_space<hbm>>
      %dma_wait3A_119 = tpu.memref_squeeze %dma_wait3A_118 : memref<1x512x64xf32, #tpu.memory_space<hbm>> -> memref<512x64xf32, #tpu.memory_space<hbm>>
      %dma_wait3A_120 = arith.constant 0 : i32
      %dma_wait3A_121 = arith.constant 0 : i32
      %dma_wait3A_122 = tpu.memref_slice %arg4[%dma_wait3A_120, %dma_wait3A_121] : memref<576x64xf32, #tpu.memory_space<vmem>> -> memref<512x64xf32, #tpu.memory_space<vmem>>
      tpu.wait_dma2 semaphore(%arg6 : memref<!tpu.dma_semaphore, #tpu.memory_space<semaphore_mem>>) src(%dma_wait3A_122 : memref<512x64xf32, #tpu.memory_space<vmem>>) dst(%dma_wait3A_119 : memref<512x64xf32, #tpu.memory_space<hbm>>)
      %scan3A_123 = arith.constant 0 : i32
      scf.yield %scan3A_123 : i32
    }
    %scan3A_78 = arith.constant 16 : i32
    %sub3A_79 = arith.constant 1984 : i32
    %sub3A_80 = arith.subi %sub3A_79, %mul3A_2 : i32
    %add3A_81 = arith.constant 1536 : i32
    %add3A_82 = arith.addi %sub3A_80, %add3A_81 : i32
    %multiple_of3A_83 = tpu.assume_multiple %add3A_82, 8 : i32
    %dma_start3A_84 = arith.constant 0 : i32
    %dma_start3A_85 = tpu.memref_slice %arg2[%multiple_of3A_83, %dma_start3A_84] : memref<4096x64xf32, #tpu.memory_space<hbm>> -> memref<576x64xf32, #tpu.memory_space<hbm>>
    %dma_start3A_86 = arith.constant 0 : i32
    %dma_start3A_87 = tpu.memref_slice %arg2[%multiple_of3A_83, %dma_start3A_86] : memref<4096x64xf32, #tpu.memory_space<hbm>> -> memref<576x64xf32, #tpu.memory_space<hbm>>
    tpu.enqueue_dma source(%dma_start3A_87 : memref<576x64xf32, #tpu.memory_space<hbm>>) target(%arg4 : memref<576x64xf32, #tpu.memory_space<vmem>>) target_semaphore(%arg5 : memref<!tpu.dma_semaphore, #tpu.memory_space<semaphore_mem>>)
    %dma_wait3A_88 = arith.constant 0 : i32
    %dma_wait3A_89 = tpu.memref_slice %arg2[%multiple_of3A_83, %dma_wait3A_88] : memref<4096x64xf32, #tpu.memory_space<hbm>> -> memref<576x64xf32, #tpu.memory_space<hbm>>
    %dma_wait3A_90 = arith.constant 0 : i32
    %dma_wait3A_91 = tpu.memref_slice %arg2[%multiple_of3A_83, %dma_wait3A_90] : memref<4096x64xf32, #tpu.memory_space<hbm>> -> memref<576x64xf32, #tpu.memory_space<hbm>>
    tpu.wait_dma2 semaphore(%arg5 : memref<!tpu.dma_semaphore, #tpu.memory_space<semaphore_mem>>) src(%dma_wait3A_91 : memref<576x64xf32, #tpu.memory_space<hbm>>) dst(%arg4 : memref<576x64xf32, #tpu.memory_space<vmem>>)
    %scan3A_92 = arith.constant 0 : i32
    %scan3A_93 = arith.constant 0 : i32
    %scan3A_94 = arith.constant 64 : i32
    %scan3A_95 = arith.addi %scan3A_93, %scan3A_94 : i32
    %scan3A_96 = arith.constant 1 : i32
    %scan3A_97 = scf.for %scan3A_106 = %scan3A_93 to %scan3A_95 step %scan3A_96 iter_args(%scan3A_107 = %scan3A_92) -> (i32)  : i32 {
      %ge3A = arith.constant 16 : i32
      %ge3A_108 = arith.cmpi sge, %scan3A_106, %ge3A : i32
      %convert_element_type3A = arith.extui %ge3A_108 : i1 to i32
      %cond3A = arith.constant 0 : i32
      %cond3A_109 = arith.cmpi ne, %convert_element_type3A, %cond3A : i32
      scf.if %cond3A_109 {
        %dma_wait3A_126 = arith.constant 0 : i32
        %dma_wait3A_127 = arith.constant 0 : i32
        %dma_wait3A_128 = arith.constant 0 : i32
        %dma_wait3A_129 = tpu.memref_slice %arg4[%dma_wait3A_127, %dma_wait3A_128] : memref<576x64xf32, #tpu.memory_space<vmem>> -> memref<512x64xf32, #tpu.memory_space<vmem>>
        %dma_wait3A_130 = arith.constant 0 : i32
        %dma_wait3A_131 = arith.constant 0 : i32
        %dma_wait3A_132 = tpu.memref_slice %arg3[%dma_wait3A_126, %dma_wait3A_130, %dma_wait3A_131] : memref<2048x2048x64xf32, #tpu.memory_space<hbm>> -> memref<1x512x64xf32, #tpu.memory_space<hbm>>
        %dma_wait3A_133 = tpu.memref_squeeze %dma_wait3A_132 : memref<1x512x64xf32, #tpu.memory_space<hbm>> -> memref<512x64xf32, #tpu.memory_space<hbm>>
        %dma_wait3A_134 = arith.constant 0 : i32
        %dma_wait3A_135 = arith.constant 0 : i32
        %dma_wait3A_136 = tpu.memref_slice %arg3[%dma_wait3A_126, %dma_wait3A_134, %dma_wait3A_135] : memref<2048x2048x64xf32, #tpu.memory_space<hbm>> -> memref<1x512x64xf32, #tpu.memory_space<hbm>>
        %dma_wait3A_137 = tpu.memref_squeeze %dma_wait3A_136 : memref<1x512x64xf32, #tpu.memory_space<hbm>> -> memref<512x64xf32, #tpu.memory_space<hbm>>
        %dma_wait3A_138 = arith.constant 0 : i32
        %dma_wait3A_139 = arith.constant 0 : i32
        %dma_wait3A_140 = tpu.memref_slice %arg4[%dma_wait3A_138, %dma_wait3A_139] : memref<576x64xf32, #tpu.memory_space<vmem>> -> memref<512x64xf32, #tpu.memory_space<vmem>>
        tpu.wait_dma2 semaphore(%arg6 : memref<!tpu.dma_semaphore, #tpu.memory_space<semaphore_mem>>) src(%dma_wait3A_140 : memref<512x64xf32, #tpu.memory_space<vmem>>) dst(%dma_wait3A_137 : memref<512x64xf32, #tpu.memory_space<hbm>>)
      } else {
      }
      %add3A_110 = arith.addi %mul3A_2, %scan3A_106 : i32
      %sub3A_111 = arith.constant 63 : i32
      %sub3A_112 = arith.subi %sub3A_111, %scan3A_106 : i32
      %dma_start3A_113 = arith.constant 0 : i32
      %dma_start3A_114 = tpu.memref_slice %arg4[%sub3A_112, %dma_start3A_113] : memref<576x64xf32, #tpu.memory_space<vmem>> -> memref<512x64xf32, #tpu.memory_space<vmem>>
      %dma_start3A_115 = arith.constant 1536 : i32
      %dma_start3A_116 = arith.constant 0 : i32
      %dma_start3A_117 = tpu.memref_slice %arg3[%add3A_110, %dma_start3A_115, %dma_start3A_116] : memref<2048x2048x64xf32, #tpu.memory_space<hbm>> -> memref<1x512x64xf32, #tpu.memory_space<hbm>>
      %dma_start3A_118 = tpu.memref_squeeze %dma_start3A_117 : memref<1x512x64xf32, #tpu.memory_space<hbm>> -> memref<512x64xf32, #tpu.memory_space<hbm>>
      %dma_start3A_119 = arith.constant 1536 : i32
      %dma_start3A_120 = arith.constant 0 : i32
      %dma_start3A_121 = tpu.memref_slice %arg3[%add3A_110, %dma_start3A_119, %dma_start3A_120] : memref<2048x2048x64xf32, #tpu.memory_space<hbm>> -> memref<1x512x64xf32, #tpu.memory_space<hbm>>
      %dma_start3A_122 = tpu.memref_squeeze %dma_start3A_121 : memref<1x512x64xf32, #tpu.memory_space<hbm>> -> memref<512x64xf32, #tpu.memory_space<hbm>>
      %dma_start3A_123 = arith.constant 0 : i32
      %dma_start3A_124 = tpu.memref_slice %arg4[%sub3A_112, %dma_start3A_123] : memref<576x64xf32, #tpu.memory_space<vmem>> -> memref<512x64xf32, #tpu.memory_space<vmem>>
      tpu.enqueue_dma source(%dma_start3A_124 : memref<512x64xf32, #tpu.memory_space<vmem>>) target(%dma_start3A_122 : memref<512x64xf32, #tpu.memory_space<hbm>>) target_semaphore(%arg6 : memref<!tpu.dma_semaphore, #tpu.memory_space<semaphore_mem>>)
      %scan3A_125 = arith.constant 0 : i32
      scf.yield %scan3A_125 : i32
    }
    %scan3A_98 = arith.constant 64 : i32
    %scan3A_99 = arith.constant 0 : i32
    %scan3A_100 = arith.constant 0 : i32
    %scan3A_101 = arith.constant 16 : i32
    %scan3A_102 = arith.addi %scan3A_100, %scan3A_101 : i32
    %scan3A_103 = arith.constant 1 : i32
    %scan3A_104 = scf.for %scan3A_106 = %scan3A_100 to %scan3A_102 step %scan3A_103 iter_args(%scan3A_107 = %scan3A_99) -> (i32)  : i32 {
      %dma_wait3A_108 = arith.constant 0 : i32
      %dma_wait3A_109 = arith.constant 0 : i32
      %dma_wait3A_110 = arith.constant 0 : i32
      %dma_wait3A_111 = tpu.memref_slice %arg4[%dma_wait3A_109, %dma_wait3A_110] : memref<576x64xf32, #tpu.memory_space<vmem>> -> memref<512x64xf32, #tpu.memory_space<vmem>>
      %dma_wait3A_112 = arith.constant 0 : i32
      %dma_wait3A_113 = arith.constant 0 : i32
      %dma_wait3A_114 = tpu.memref_slice %arg3[%dma_wait3A_108, %dma_wait3A_112, %dma_wait3A_113] : memref<2048x2048x64xf32, #tpu.memory_space<hbm>> -> memref<1x512x64xf32, #tpu.memory_space<hbm>>
      %dma_wait3A_115 = tpu.memref_squeeze %dma_wait3A_114 : memref<1x512x64xf32, #tpu.memory_space<hbm>> -> memref<512x64xf32, #tpu.memory_space<hbm>>
      %dma_wait3A_116 = arith.constant 0 : i32
      %dma_wait3A_117 = arith.constant 0 : i32
      %dma_wait3A_118 = tpu.memref_slice %arg3[%dma_wait3A_108, %dma_wait3A_116, %dma_wait3A_117] : memref<2048x2048x64xf32, #tpu.memory_space<hbm>> -> memref<1x512x64xf32, #tpu.memory_space<hbm>>
      %dma_wait3A_119 = tpu.memref_squeeze %dma_wait3A_118 : memref<1x512x64xf32, #tpu.memory_space<hbm>> -> memref<512x64xf32, #tpu.memory_space<hbm>>
      %dma_wait3A_120 = arith.constant 0 : i32
      %dma_wait3A_121 = arith.constant 0 : i32
      %dma_wait3A_122 = tpu.memref_slice %arg4[%dma_wait3A_120, %dma_wait3A_121] : memref<576x64xf32, #tpu.memory_space<vmem>> -> memref<512x64xf32, #tpu.memory_space<vmem>>
      tpu.wait_dma2 semaphore(%arg6 : memref<!tpu.dma_semaphore, #tpu.memory_space<semaphore_mem>>) src(%dma_wait3A_122 : memref<512x64xf32, #tpu.memory_space<vmem>>) dst(%dma_wait3A_119 : memref<512x64xf32, #tpu.memory_space<hbm>>)
      %scan3A_123 = arith.constant 0 : i32
      scf.yield %scan3A_123 : i32
    }
    %scan3A_105 = arith.constant 16 : i32
    return
  }
}

module attributes {stable_mosaic.version = 14 : i64} {
  func.func @_lambda_(%arg0: memref<129x64xf32, #tpu.memory_space<vmem>>, %arg1: memref<4096x64xf32, #tpu.memory_space<vmem>>) attributes {dimension_semantics = [], scalar_prefetch = 0 : i64, scratch_operands = 0 : i64, tpu.core_type = #tpu.core_type<tc>} {
    %get3A = arith.constant 0 : index
    %get3A_0 = arith.constant 0 : index
    %get3A_1 = vector.load %arg0[%get3A, %get3A_0] : memref<129x64xf32, #tpu.memory_space<vmem>>, vector<1x64xf32>
    %broadcast_in_dim3A = vector.shape_cast %get3A_1 : vector<1x64xf32> to vector<1x64xf32>
    %broadcast_in_dim3A_2 = vector.broadcast %broadcast_in_dim3A : vector<1x64xf32> to vector<1984x64xf32>
    %swap3A = arith.constant 0 : index
    %swap3A_3 = arith.constant 0 : index
    %swap3A_4 = vector.load %arg1[%swap3A, %swap3A_3] : memref<4096x64xf32, #tpu.memory_space<vmem>>, vector<1984x64xf32>
    tpu.vector_store %arg1[%swap3A, %swap3A_3], %broadcast_in_dim3A_2 {strides = array<i32>} : memref<4096x64xf32, #tpu.memory_space<vmem>>, vector<1984x64xf32>,
    %get3A_5 = arith.constant 1 : index
    %get3A_6 = arith.constant 0 : index
    %get3A_7 = vector.load %arg0[%get3A_5, %get3A_6] : memref<129x64xf32, #tpu.memory_space<vmem>>, vector<127x64xf32>
    %swap3A_8 = arith.constant 1984 : index
    %swap3A_9 = arith.constant 0 : index
    %swap3A_10 = vector.load %arg1[%swap3A_8, %swap3A_9] : memref<4096x64xf32, #tpu.memory_space<vmem>>, vector<127x64xf32>
    tpu.vector_store %arg1[%swap3A_8, %swap3A_9], %get3A_7 {strides = array<i32>} : memref<4096x64xf32, #tpu.memory_space<vmem>>, vector<127x64xf32>,
    %get3A_11 = arith.constant 128 : index
    %get3A_12 = arith.constant 0 : index
    %get3A_13 = vector.load %arg0[%get3A_11, %get3A_12] : memref<129x64xf32, #tpu.memory_space<vmem>>, vector<1x64xf32>
    %broadcast_in_dim3A_14 = vector.shape_cast %get3A_13 : vector<1x64xf32> to vector<1x64xf32>
    %broadcast_in_dim3A_15 = vector.broadcast %broadcast_in_dim3A_14 : vector<1x64xf32> to vector<1985x64xf32>
    %swap3A_16 = arith.constant 2111 : index
    %swap3A_17 = arith.constant 0 : index
    %swap3A_18 = vector.load %arg1[%swap3A_16, %swap3A_17] : memref<4096x64xf32, #tpu.memory_space<vmem>>, vector<1985x64xf32>
    tpu.vector_store %arg1[%swap3A_16, %swap3A_17], %broadcast_in_dim3A_15 {strides = array<i32>} : memref<4096x64xf32, #tpu.memory_space<vmem>>, vector<1985x64xf32>,
    return
  }
}

</mosaic_0001>

<sc_bundles>
// kernel: kernel.4.cloned.1.call-start
scs
__scs_entry_jumppad:
0x0: {  	(pc) =	sbr.rel $0x88, $3  }
0x1: {  	(tag) =	ssettag $0x0;
	lr =	simm.s32 $0x1  }
0x2: {  	[smem:$0x3FA0] =	sst lr;
	_ =	strace $0xD0000000  }
0x3: {  	_ = 	snop  }
0x4: {  	_ = 	snop  }
0x5: {  	_ = 	snop  }
0x6: {  	_ = 	snop  }
0x7: {  	_ = 	snop  }
__scs_overlays_trampoline_lowered:
0x8: {  	[smem:$0x3FAF] =	sst s0  }
0x9: {  	[smem:$0x3FB0] =	sst s1  }
0xa: {  	[smem:$0x3FB1] =	sst s2  }
0xb: {  	[smem:$0x3FB2] =	sst s3  }
0xc: {  	[smem:$0x3FB3] =	sst s4  }
0xd: {  	[smem:$0x3FB4] =	sst s5  }
0xe: {  	[smem:$0x3FB5] =	sst s6  }
0xf: {  	[smem:$0x3FB6] =	sst s7  }
0x10: {  	[smem:$0x3FB7] =	sst s8  }
0x11: {  	[smem:$0x3FB8] =	sst s9;
	s0 =	simm.s32 @!p0 $0x0  }
0x12: {  	s1 =	sld [smem:$0x3F9E];
	s0 =	simm.s32 @p0 $0x1  }
0x13: {  	[smem:$0x3FB9] =	sst s0;
	s0 =	simm.s32 @!p1 $0x0  }
0x14: {  	s2 =	sld [smem:$0x3F9D];
	s0 =	simm.s32 @p1 $0x1  }
0x15: {  	[smem:$0x3FBA] =	sst s0;
	s0 =	simm.s32 @!p2 $0x0  }
0x16: {  	s3 =	sld [smem:$0x3FDB];
	s0 =	simm.s32 @p2 $0x1  }
0x17: {  	s4 =	simm.s32 $0x1BF5;
	[smem:$0x3FBC] =	sst s0  }
0x18: {  	s0 =	sld [smem:$0x3F9F];
	_ =	swait.ge [sflag:s4], $0x0  }
0x19: {  	s7 =	sld [smem:$0x3FA0]  }
0x1a: {  	s8 =	sadd.s32 $0xFFFFE003, lr  }
0x1b: {  	s9 =	sadd.s32 $0xFFFFFEF7, lr;
	s5 =	simm.s32 $0xFFFFFFFF;
	p2 =	slt.u32 s8, $0xFFFFF086  }
0x1c: {  	p1 =	slt.u32 s9, $0xF7A;
	s5 =	simm.s32 @!p2 $0x0  }
0x1d: {  	s5 =	simm.s32 @p1 $0x1;
	p0 =	seq.s32 s7, s2  }
0x1e: {  	s7 =	smul.u32 @!p0 $0xF7A, s2;
	p2 =	seq.s32 @!p0 s5, $0x0  }
0x1f: {  	s9 =	smul.u32 $0xF7A, s1;
	s8 =	simm.s32 @!p0 $0x1BF5;
	p2 =	por !p2, p0  }
0x20: {  	[sflag:s8] =	ssyncset.s32 @!p0 $0xFFFFF086;
	s6 =	sadd.s32 @!p0 s3, s7;
	s7 =	simm.s32 @!p0 $0x108  }
0x21: {  	s3 =	sadd.s32 s3, s9;
	s6 =	sadd.s32 @!p0 $0x88, s6;
	s7 =	simm.s32 @p2 $0x1082  }
0x22: {  	[simem:s7], [sflag:s8] =	dma.local @!p0 [hbm:s6], $0xF7A  }
0x23: {  	s9 =	sor.u32 $0xD0000000, s2;
	s6 =	simm.s32 $0x108;
	_ =	swait.ge @!p0 [sflag:s8], $0x0  }
0x24: {  	s3 =	sadd.s32 $0x88, s3;
	s6 =	simm.s32 @!p1 $0x1082;
	[sflag:s4] =	ssyncset.s32 $0xFFFFF086  }
0x25: {  	[simem:s6], [sflag:s4] =	dma.local [hbm:s3], $0xF7A  }
0x26: {  	[smem:$0x3FA0] =	sst s1;
	(tag) =	ssettag s2;
	_ =	strace s9  }
0x27: {  	s1 =	sld [smem:$0x3FB0]  }
0x28: {  	s2 =	sld [smem:$0x3FB1]  }
0x29: {  	s4 =	sld [smem:$0x3FB3]  }
0x2a: {  	p0 =	seq.s32 s5, $0x0;
	s5 =	sld [smem:$0x3FB4]  }
0x2b: {  	s6 =	sld [smem:$0x3FB5]  }
0x2c: {  	s7 =	sld [smem:$0x3FB6]  }
0x2d: {  	s3 =	simm.s32 $0x108;
	s8 =	sld [smem:$0x3FB7]  }
0x2e: {  	s3 =	simm.s32 @!p0 $0x1082;
	s9 =	sld [smem:$0x3FB8]  }
0x2f: {  	lr =	sadd.s32 s0, s3;
	s0 =	sld [smem:$0x3FAF]  }
0x30: {  	s3 =	sld [smem:$0x3FB2]  }
0x31: {  	[smem:$0x3FBB] =	sst s10  }
0x32: {  	s10 =	sld [smem:$0x3FB9];
	_ =	sdelay $0x3  }
0x33: {  	p0 =	seq.s32 s10, $0x1;
	s10 =	sld [smem:$0x3FBB];
	_ =	sdelay $0x3  }
0x34: {  	[smem:$0x3FBB] =	sst s10  }
0x35: {  	s10 =	sld [smem:$0x3FBA];
	_ =	sdelay $0x3  }
0x36: {  	p1 =	seq.s32 s10, $0x1;
	s10 =	sld [smem:$0x3FBB];
	_ =	sdelay $0x3  }
0x37: {  	[smem:$0x3FBB] =	sst s10  }
0x38: {  	s10 =	sld [smem:$0x3FBC]  }
0x39: {  	_ = 	snop;
	(pc) =	sbr.ind lr, $3  }
0x3a: {  	_ = 	snop  }
0x3b: {  	_ = 	snop  }
0x3c: {  	p2 =	seq.s32 s10, $0x1;
	s10 =	sld [smem:$0x3FBB]  }
0x3d: {  	_ =	shalt  }
0x3e: {  	_ =	shalt  }
0x3f: {  	_ =	shalt  }
0x40: {  	_ =	shalt  }
0x41: {  	_ =	shalt  }
0x42: {  	_ =	shalt  }
0x43: {  	_ =	shalt  }
0x44: {  	_ =	shalt  }
0x45: {  	_ =	shalt  }
0x46: {  	_ =	shalt  }
0x47: {  	_ =	shalt  }
0x48: {  	_ =	shalt  }
0x49: {  	_ =	shalt  }
0x4a: {  	_ =	shalt  }
0x4b: {  	_ =	shalt  }
0x4c: {  	_ =	shalt  }
0x4d: {  	_ =	shalt  }
0x4e: {  	_ =	shalt  }
0x4f: {  	_ =	shalt  }
0x50: {  	_ =	shalt  }
0x51: {  	_ =	shalt  }
0x52: {  	_ =	shalt  }
0x53: {  	_ =	shalt  }
0x54: {  	_ =	shalt  }
0x55: {  	_ =	shalt  }
0x56: {  	_ =	shalt  }
0x57: {  	_ =	shalt  }
0x58: {  	_ =	shalt  }
0x59: {  	_ =	shalt  }
0x5a: {  	_ =	shalt  }
0x5b: {  	_ =	shalt  }
0x5c: {  	_ =	shalt  }
0x5d: {  	_ =	shalt  }
0x5e: {  	_ =	shalt  }
0x5f: {  	_ =	shalt  }
0x60: {  	_ =	shalt  }
0x61: {  	_ =	shalt  }
0x62: {  	_ =	shalt  }
0x63: {  	_ =	shalt  }
0x64: {  	_ =	shalt  }
0x65: {  	_ =	shalt  }
0x66: {  	_ =	shalt  }
0x67: {  	_ =	shalt  }
0x68: {  	_ =	shalt  }
0x69: {  	_ =	shalt  }
0x6a: {  	_ =	shalt  }
0x6b: {  	_ =	shalt  }
0x6c: {  	_ =	shalt  }
0x6d: {  	_ =	shalt  }
0x6e: {  	_ =	shalt  }
0x6f: {  	_ =	shalt  }
0x70: {  	_ =	shalt  }
0x71: {  	_ =	shalt  }
0x72: {  	_ =	shalt  }
0x73: {  	_ =	shalt  }
0x74: {  	_ =	shalt  }
0x75: {  	_ =	shalt  }
0x76: {  	_ =	shalt  }
0x77: {  	_ =	shalt  }
0x78: {  	_ =	shalt  }
0x79: {  	_ =	shalt  }
0x7a: {  	_ =	shalt  }
0x7b: {  	_ =	shalt  }
0x7c: {  	_ =	shalt  }
0x7d: {  	_ =	shalt  }
0x7e: {  	_ =	shalt  }
0x7f: {  	_ =	shalt  }
0x80: {  	_ =	shalt  }
0x81: {  	_ =	shalt  }
0x82: {  	_ =	shalt  }
0x83: {  	_ =	shalt  }
0x84: {  	_ =	shalt  }
0x85: {  	_ =	shalt  }
0x86: {  	_ =	shalt  }
0x87: {  	_ =	shalt  }
.Lfunc_end0:
.L_simem_size_0:
called_computation_lowered:
.L_overlay_start_0:
0x88: {  	s2 =	sld [smem:$0x3FD9]  }
0x89: {  	s3 =	sld [smem:$0x3FFE];
	_ =	sdelay $0x1  }
0x8a: {  	s1 =	srdreg.scid  }
0x8b: {  	s0 =	sand.u32 $0x1, s1  }
0x8c: {  	s17 =	sshll.u32 s0, $0xA;
	s2 =	sadd.s32 s3, s2  }
0x8d: {  	s2 =	sadd.s32 s2, s17  }
0x8e: {  	[smem:$0x3FC7] =	sst s2  }
0x8f: {  	_ = 	snop  }
0x90: {  	s2 =	sld [smem:$0x3FD0];
	(tm) =	ssettm $0x1  }
0x91: {  	s18 =	sld [smem:$0x3FFB];
	_ =	sdelay $0x3  }
0x92: {  	_ =	strace s18  }
0x93: {  	s3 =	sld [smem:$0x3FFC];
	_ =	sdelay $0x3  }
0x94: {  	_ =	strace s3  }
0x95: {  	s3 =	sld [smem:$0x3FFD];
	_ =	sdelay $0x3  }
0x96: {  	_ =	strace s3  }
0x97: {  	_ =	strace $0x8FFFFFFF  }
0x98: {  	s19 =	sld [smem:$0x3FDB];
	_ =	sdelay $0x1  }
0x99: {  	s4 =	simm.s32 $_scs_section_size  }
0x9a: {  	s5 =	simm.s32 $_size__tile_overlayer_lowered;
	s6 =	simm.s32 $_tile_overlayer_lowered  }
0x9b: {  	s22 =	simm.s32 $0x1BFF;
	s21 =	sshll.u32 s6, $0x1;
	s3 =	sadd.s32 s4, s19  }
0x9c: {  	s7 =	simm.s32 $0x0;
	s20 =	sshll.u32 s5, $0x1;
	s5 =	sadd.s32 s21, s3  }
0x9d: {  	[timem:s7], [sflag:s22] =	dma.local [hbm:s5], s20  }
0x9e: {  	_ =	swait.ge [sflag:s22], s20  }
0x9f: {  	s4 =	ssub.s32 $0x0, s20;
	[sflag:s22] =	ssyncset.done $0x0  }
0xa0: {  	[sflag:s22] =	ssyncadd.s32 s4;
	_ =	sdelay $0x1  }
0xa1: {  	s23 =	simm.s32 $0x1B8B  }
0xa2: {  	_ =	swait.ge [sflag:s23], $0x1  }
0xa3: {  	[sflag:s23] =	ssyncset.done $0x0  }
0xa4: {  	s25 =	simm.s32 $0x1B8E;
	s24 =	sld [smem:$0x3FFE];
	[sflag:s23] =	ssyncadd.s32 $0xFFFFFFFF  }
0xa5: {  	s26 =	simm.s32 $execute0_lowered;
	[smem:$0x3FD2] =	sst s25  }
0xa6: {  	s5 =	sshll.u32 s26, $0x1;
	_ =	strace $0x80000046;
	[dreg:$0x1] =	wrdreg $0xFFFFFFFF  }
0xa7: {  	s28 =	simm.s32 $_size_execute0_lowered;
	s3 =	sadd.s32 s3, s5;
	[dreg:$0x0] =	wrdreg $0x0  }
0xa8: {  	s5 =	sshll.u32 s28, $0x1;
	[dreg:$0x2] =	wrdreg s3  }
0xa9: {  	[dreg:$0x3] =	wrdreg s5  }
0xaa: {  	[dreg:$0x4] =	wrdreg $0xC0  }
0xab: {  	_ =	task [dreg:s7], $0x5FFFF  }
0xac: {  	[dreg:$0x1] =	wrdreg $0xFFFFFFFF  }
0xad: {  	[dreg:$0x0] =	wrdreg $0x60  }
0xae: {  	[dreg:$0x2] =	wrdreg s2  }
0xaf: {  	[dreg:$0x3] =	wrdreg s24  }
0xb0: {  	[dreg:$0x4] =	wrdreg $0x9  }
0xb1: {  	_ =	task.clear_ibuf [dreg:s7], $0x5FFFF;
	_ =	strace $0x90000046  }
0xb2: {  	s29 =	simm.s32 $0x9;
	_ =	strace $0x80000048  }
0xb3: {  	_ =	swait.ge [sflag:s29], $0x1  }
0xb4: {  	[sflag:s29] =	ssyncadd.s32 $0xFFFFFFFF  }
0xb5: {  	_ =	strace $0x90000048  }
0xb6: {  	_ =	sfence  }
0xb7: {  	s30 =	sld [smem:$0x0];
	_ =	sdelay $0x2  }
0xb8: {  	s31 =	sshll.u32 s1, $0xD;
	s1 =	sshrl.u32 s1, $0x2  }
0xb9: {  	s3 =	sand.u32 $0x4000, s31;
	s1 =	sadd.s32 s1, s30  }
0xba: {  	s0 =	sor.u32 s3, s0;
	s1 =	sshll.u32 s1, $0x11  }
0xbb: {  	s0 =	sor.u32 s1, s0  }
0xbc: {  	s0 =	sadd.s32 $0x8F2B, s0  }
0xbd: {  	[sflag:s0] =	ssyncadd.remote.s32 $0x1  }
0xbe: {  	_ =	sfence.sel $0xFFFF  }
0xbf: {  	[dreg:$0x0] =	wrdreg $0xFFFFFFFF;
	(pc) =	sbr.abs _section_cstart, $3  }
0xc0: {  	[dreg:$0x1] =	wrdreg $0xFFFFFFFF  }
0xc1: {  	_ =	task.clear_ibuf [dreg:s7], $0x2FFFF;
	_ =	strace $0x9FFFFFFF  }
0xc2: {  	(tm) =	ssettm $0x7FFFFFFF  }
0xc3: {  	_ =	shalt  }
tec
execute0_lowered:
.L_overlay_start_1:
0x0: {  	(tag) =	ssettag $0x1  }
0x1: {  	s6 =	rddreg [dreg:$0x0]  }
0x2: {  	s3 =	rddreg [dreg:$0x1]  }
0x3: {  	s0 =	rddreg [dreg:$0x2]  }
0x4: {  	s2 =	simm.s32 $0x0;
	s4 =	srdreg.scid;
	s1 =	stileid.u32  }
0x5: {  	s13 =	simm.s32 $0x2;
	s14 =	simm.s32 $0x0;
	[smem:$0x7FF] =	sst s2  }
0x6: {  	s5 =	sand.u32 $0x1, s4;
	s24 =	sshll.u32 s1, $0x16;
	s7 =	sshll.u32 s1, $0xE  }
0x7: {  	_ =	strace $0x80000047;
	s8 =	sshll.u32 s5, $0xD;
	s9 =	sadd.s32 s24, s3  }
0x8: {  	s25 =	ssub.s32 $0x2, s5;
	s31 =	sshll.u32 s5, $0x15;
	s7 =	sor.u32 s8, s7  }
0x9: {  	s26 =	sshrl.u32 s25, $0x1;
	s12 =	sadd.s32 s31, s9;
	s8 =	sshrl.u32 s7, $0x3  }
0xa: {  	s10 =	ssub.s32 $0x4E000, s7;
	s11 =	ssub.s32 s25, s26;
	s30 =	ssub.s32 $0x5E000, s7  }
0xb: {  	s7 =	ssub.s32 $0x6E000, s7;
	s9 =	sadd.s32 $0x2600, s12;
	s28 =	sxor.u32 $0x7C00, s8  }
0xc: {  	s29 =	sshrl.u32 s10, $0x3;
	s8 =	sshrl.u32 s30, $0x3;
	s7 =	sshrl.u32 s7, $0x3  }
0xd: {  	s10 =	sadd.s32 $0x4600, s12;
	s3 =	sadd.s32 s6, s28;
	s4 =	sadd.s32 s6, s29  }
0xe: {  	s5 =	sadd.s32 s6, s8;
	s6 =	sadd.s32 s6, s7;
	s7 =	smax.u32 s11, $0x1  }
0xf: {  	s8 =	sadd.s32 $0x600, s12;
	s11 =	sadd.s32 $0x6600, s12;
	s12 =	simm.s32 $0x1  }
.LBB2_1:
0x10: {  	[tilespmem:s2], [sflag:$0x1] =	stream.linear.gather [hbm4b:s3+s2], $0x12000, $0x38;
	[tilespmem:$0x12000] =	vst v63  }
0x11: {  	_ =	swait.ge [sflag:s12], $0x12000  }
0x12: {  	p0 =	por $0x1, $0x1;
	[sflag:s12] =	ssyncset.done $0x0  }
0x13: {  	s16 =	simm.s32 @!p0 $0x2;
	[sflag:s12] =	ssyncadd.s32 $0xFFFEE000  }
0x14: {  	s18 =	simm.s32 $0x1F80;
	_ =	swait.ge @!p0 [sflag:s16], $0x10000  }
0x15: {  	s15 =	simm.s32 $0x1;
	s17 =	sadd.s32 $0x8000, s8;
	[sflag:s16] =	ssyncset.done @!p0 $0x0  }
0x16: {  	s19 =	smov.u32 s8;
	[sflag:s16] =	ssyncadd.s32 @!p0 $0xFFFF0000;
	s16 =	simm.s32 $0x1F00  }
.LBB2_2:
0x17: {  	[hbm4b:s19+s2] =	stream.linear.scatter [tilespmem:s18], [sflag:$0x2], $0x10000, $0x38;
	[tilespmem:$0x12000] =	vst v63  }
0x18: {  	p0 =	slt.u32 s15, $0x10;
	s15 =	sadd.s32 $0x1, s15  }
0x19: {  	p1 =	sne.s32 s15, $0x40  }
.Ltmp0:
0x1a: {  	(pc) =	sbr.rel @p1 .LBB2_2-.Ltmp0, $4  }
0x1b: {  	s18 =	smov.u32 s16;
	s20 =	simm.s32 @!p0 $0x2  }
0x1c: {  	s19 =	smov.u32 s17;
	_ =	swait.ge @!p0 [sflag:s20], $0x10000  }
0x1d: {  	[sflag:s20] =	ssyncset.done @!p0 $0x0  }
0x1e: {  	s16 =	sadd.s32 $0xFFFFFF80, s16;
	s17 =	sadd.s32 $0x8000, s17;
	[sflag:s20] =	ssyncadd.s32 @!p0 $0xFFFF0000  }
0x1f: {  	[hbm4b:s19+s2] =	stream.linear.scatter [tilespmem:s18], [sflag:$0x2], $0x10000, $0x38;
	[tilespmem:$0x12000] =	vst v63  }
0x20: {  	_ =	swait.ge [sflag:s13], $0x10000  }
0x21: {  	[sflag:s13] =	ssyncset.done $0x0  }
0x22: {  	[sflag:s13] =	ssyncadd.s32 $0xFFFF0000  }
0x23: {  	_ =	swait.ge [sflag:s13], $0x10000  }
0x24: {  	[sflag:s13] =	ssyncset.done $0x0  }
0x25: {  	[sflag:s13] =	ssyncadd.s32 $0xFFFF0000  }
0x26: {  	_ =	swait.ge [sflag:s13], $0x10000  }
0x27: {  	[sflag:s13] =	ssyncset.done $0x0  }
0x28: {  	[sflag:s13] =	ssyncadd.s32 $0xFFFF0000  }
0x29: {  	_ =	swait.ge [sflag:s13], $0x10000  }
0x2a: {  	[sflag:s13] =	ssyncset.done $0x0  }
0x2b: {  	[sflag:s13] =	ssyncadd.s32 $0xFFFF0000  }
0x2c: {  	_ =	swait.ge [sflag:s13], $0x10000  }
0x2d: {  	[sflag:s13] =	ssyncset.done $0x0  }
0x2e: {  	[sflag:s13] =	ssyncadd.s32 $0xFFFF0000  }
0x2f: {  	_ =	swait.ge [sflag:s13], $0x10000  }
0x30: {  	[sflag:s13] =	ssyncset.done $0x0  }
0x31: {  	[sflag:s13] =	ssyncadd.s32 $0xFFFF0000  }
0x32: {  	_ =	swait.ge [sflag:s13], $0x10000  }
0x33: {  	[sflag:s13] =	ssyncset.done $0x0  }
0x34: {  	[sflag:s13] =	ssyncadd.s32 $0xFFFF0000  }
0x35: {  	_ =	swait.ge [sflag:s13], $0x10000  }
0x36: {  	[sflag:s13] =	ssyncset.done $0x0  }
0x37: {  	[sflag:s13] =	ssyncadd.s32 $0xFFFF0000  }
0x38: {  	_ =	swait.ge [sflag:s13], $0x10000  }
0x39: {  	[sflag:s13] =	ssyncset.done $0x0  }
0x3a: {  	[sflag:s13] =	ssyncadd.s32 $0xFFFF0000  }
0x3b: {  	_ =	swait.ge [sflag:s13], $0x10000  }
0x3c: {  	[sflag:s13] =	ssyncset.done $0x0  }
0x3d: {  	[sflag:s13] =	ssyncadd.s32 $0xFFFF0000  }
0x3e: {  	_ =	swait.ge [sflag:s13], $0x10000  }
0x3f: {  	[sflag:s13] =	ssyncset.done $0x0  }
0x40: {  	[sflag:s13] =	ssyncadd.s32 $0xFFFF0000  }
0x41: {  	_ =	swait.ge [sflag:s13], $0x10000  }
0x42: {  	[sflag:s13] =	ssyncset.done $0x0  }
0x43: {  	[sflag:s13] =	ssyncadd.s32 $0xFFFF0000  }
0x44: {  	_ =	swait.ge [sflag:s13], $0x10000  }
0x45: {  	[sflag:s13] =	ssyncset.done $0x0  }
0x46: {  	[sflag:s13] =	ssyncadd.s32 $0xFFFF0000  }
0x47: {  	_ =	swait.ge [sflag:s13], $0x10000  }
0x48: {  	[sflag:s13] =	ssyncset.done $0x0  }
0x49: {  	[sflag:s13] =	ssyncadd.s32 $0xFFFF0000  }
0x4a: {  	_ =	swait.ge [sflag:s13], $0x10000  }
0x4b: {  	[sflag:s13] =	ssyncset.done $0x0  }
0x4c: {  	[sflag:s13] =	ssyncadd.s32 $0xFFFF0000  }
0x4d: {  	_ =	swait.ge [sflag:s13], $0x10000  }
0x4e: {  	[sflag:s13] =	ssyncset.done $0x0  }
0x4f: {  	s15 =	simm.s32 $0x0;
	[sflag:s13] =	ssyncadd.s32 $0xFFFF0000  }
0x50: {  	[tilespmem:s15], [sflag:$0x1] =	stream.linear.gather [hbm4b:s4+s15], $0x12000, $0x38;
	[tilespmem:$0x12000] =	vst v63  }
0x51: {  	_ =	swait.ge [sflag:s12], $0x12000  }
0x52: {  	p0 =	por $0x1, $0x1;
	[sflag:s12] =	ssyncset.done $0x0  }
0x53: {  	s16 =	simm.s32 @!p0 $0x2;
	[sflag:s12] =	ssyncadd.s32 $0xFFFEE000  }
0x54: {  	s18 =	simm.s32 $0x1F80;
	_ =	swait.ge @!p0 [sflag:s16], $0x10000  }
0x55: {  	s17 =	sadd.s32 $0x8000, s9;
	s19 =	smov.u32 s9;
	[sflag:s16] =	ssyncset.done @!p0 $0x0  }
0x56: {  	s15 =	simm.s32 $0x1;
	[sflag:s16] =	ssyncadd.s32 @!p0 $0xFFFF0000;
	s16 =	simm.s32 $0x1F00  }
.LBB2_4:
0x57: {  	[hbm4b:s19+s2] =	stream.linear.scatter [tilespmem:s18], [sflag:$0x2], $0x10000, $0x38;
	[tilespmem:$0x12000] =	vst v63  }
0x58: {  	p0 =	slt.u32 s15, $0x10;
	s15 =	sadd.s32 $0x1, s15  }
0x59: {  	p1 =	sne.s32 s15, $0x40  }
.Ltmp1:
0x5a: {  	(pc) =	sbr.rel @p1 .LBB2_4-.Ltmp1, $4  }
0x5b: {  	s18 =	smov.u32 s16;
	s20 =	simm.s32 @!p0 $0x2  }
0x5c: {  	s19 =	smov.u32 s17;
	_ =	swait.ge @!p0 [sflag:s20], $0x10000  }
0x5d: {  	[sflag:s20] =	ssyncset.done @!p0 $0x0  }
0x5e: {  	s16 =	sadd.s32 $0xFFFFFF80, s16;
	s17 =	sadd.s32 $0x8000, s17;
	[sflag:s20] =	ssyncadd.s32 @!p0 $0xFFFF0000  }
0x5f: {  	[hbm4b:s19+s2] =	stream.linear.scatter [tilespmem:s18], [sflag:$0x2], $0x10000, $0x38;
	[tilespmem:$0x12000] =	vst v63  }
0x60: {  	_ =	swait.ge [sflag:s13], $0x10000  }
0x61: {  	[sflag:s13] =	ssyncset.done $0x0  }
0x62: {  	[sflag:s13] =	ssyncadd.s32 $0xFFFF0000  }
0x63: {  	_ =	swait.ge [sflag:s13], $0x10000  }
0x64: {  	[sflag:s13] =	ssyncset.done $0x0  }
0x65: {  	[sflag:s13] =	ssyncadd.s32 $0xFFFF0000  }
0x66: {  	_ =	swait.ge [sflag:s13], $0x10000  }
0x67: {  	[sflag:s13] =	ssyncset.done $0x0  }
0x68: {  	[sflag:s13] =	ssyncadd.s32 $0xFFFF0000  }
0x69: {  	_ =	swait.ge [sflag:s13], $0x10000  }
0x6a: {  	[sflag:s13] =	ssyncset.done $0x0  }
0x6b: {  	[sflag:s13] =	ssyncadd.s32 $0xFFFF0000  }
0x6c: {  	_ =	swait.ge [sflag:s13], $0x10000  }
0x6d: {  	[sflag:s13] =	ssyncset.done $0x0  }
0x6e: {  	[sflag:s13] =	ssyncadd.s32 $0xFFFF0000  }
0x6f: {  	_ =	swait.ge [sflag:s13], $0x10000  }
0x70: {  	[sflag:s13] =	ssyncset.done $0x0  }
0x71: {  	[sflag:s13] =	ssyncadd.s32 $0xFFFF0000  }
0x72: {  	_ =	swait.ge [sflag:s13], $0x10000  }
0x73: {  	[sflag:s13] =	ssyncset.done $0x0  }
0x74: {  	[sflag:s13] =	ssyncadd.s32 $0xFFFF0000  }
0x75: {  	_ =	swait.ge [sflag:s13], $0x10000  }
0x76: {  	[sflag:s13] =	ssyncset.done $0x0  }
0x77: {  	[sflag:s13] =	ssyncadd.s32 $0xFFFF0000  }
0x78: {  	_ =	swait.ge [sflag:s13], $0x10000  }
0x79: {  	[sflag:s13] =	ssyncset.done $0x0  }
0x7a: {  	[sflag:s13] =	ssyncadd.s32 $0xFFFF0000  }
0x7b: {  	_ =	swait.ge [sflag:s13], $0x10000  }
0x7c: {  	[sflag:s13] =	ssyncset.done $0x0  }
0x7d: {  	[sflag:s13] =	ssyncadd.s32 $0xFFFF0000  }
0x7e: {  	_ =	swait.ge [sflag:s13], $0x10000  }
0x7f: {  	[sflag:s13] =	ssyncset.done $0x0  }
0x80: {  	[sflag:s13] =	ssyncadd.s32 $0xFFFF0000  }
0x81: {  	_ =	swait.ge [sflag:s13], $0x10000  }
0x82: {  	[sflag:s13] =	ssyncset.done $0x0  }
0x83: {  	[sflag:s13] =	ssyncadd.s32 $0xFFFF0000  }
0x84: {  	_ =	swait.ge [sflag:s13], $0x10000  }
0x85: {  	[sflag:s13] =	ssyncset.done $0x0  }
0x86: {  	[sflag:s13] =	ssyncadd.s32 $0xFFFF0000  }
0x87: {  	_ =	swait.ge [sflag:s13], $0x10000  }
0x88: {  	[sflag:s13] =	ssyncset.done $0x0  }
0x89: {  	[sflag:s13] =	ssyncadd.s32 $0xFFFF0000  }
0x8a: {  	_ =	swait.ge [sflag:s13], $0x10000  }
0x8b: {  	[sflag:s13] =	ssyncset.done $0x0  }
0x8c: {  	[sflag:s13] =	ssyncadd.s32 $0xFFFF0000  }
0x8d: {  	_ =	swait.ge [sflag:s13], $0x10000  }
0x8e: {  	[sflag:s13] =	ssyncset.done $0x0  }
0x8f: {  	s15 =	simm.s32 $0x0;
	[sflag:s13] =	ssyncadd.s32 $0xFFFF0000  }
0x90: {  	[tilespmem:s15], [sflag:$0x1] =	stream.linear.gather [hbm4b:s5+s15], $0x12000, $0x38;
	[tilespmem:$0x12000] =	vst v63  }
0x91: {  	_ =	swait.ge [sflag:s12], $0x12000  }
0x92: {  	p0 =	por $0x1, $0x1;
	[sflag:s12] =	ssyncset.done $0x0  }
0x93: {  	s16 =	simm.s32 @!p0 $0x2;
	[sflag:s12] =	ssyncadd.s32 $0xFFFEE000  }
0x94: {  	s18 =	simm.s32 $0x1F80;
	_ =	swait.ge @!p0 [sflag:s16], $0x10000  }
0x95: {  	s17 =	sadd.s32 $0x8000, s10;
	s19 =	smov.u32 s10;
	[sflag:s16] =	ssyncset.done @!p0 $0x0  }
0x96: {  	s15 =	simm.s32 $0x1;
	[sflag:s16] =	ssyncadd.s32 @!p0 $0xFFFF0000;
	s16 =	simm.s32 $0x1F00  }
.LBB2_6:
0x97: {  	[hbm4b:s19+s2] =	stream.linear.scatter [tilespmem:s18], [sflag:$0x2], $0x10000, $0x38;
	[tilespmem:$0x12000] =	vst v63  }
0x98: {  	p0 =	slt.u32 s15, $0x10;
	s15 =	sadd.s32 $0x1, s15  }
0x99: {  	p1 =	sne.s32 s15, $0x40  }
.Ltmp2:
0x9a: {  	(pc) =	sbr.rel @p1 .LBB2_6-.Ltmp2, $4  }
0x9b: {  	s18 =	smov.u32 s16;
	s20 =	simm.s32 @!p0 $0x2  }
0x9c: {  	s19 =	smov.u32 s17;
	_ =	swait.ge @!p0 [sflag:s20], $0x10000  }
0x9d: {  	[sflag:s20] =	ssyncset.done @!p0 $0x0  }
0x9e: {  	s16 =	sadd.s32 $0xFFFFFF80, s16;
	s17 =	sadd.s32 $0x8000, s17;
	[sflag:s20] =	ssyncadd.s32 @!p0 $0xFFFF0000  }
0x9f: {  	[hbm4b:s19+s2] =	stream.linear.scatter [tilespmem:s18], [sflag:$0x2], $0x10000, $0x38;
	[tilespmem:$0x12000] =	vst v63  }
0xa0: {  	_ =	swait.ge [sflag:s13], $0x10000  }
0xa1: {  	[sflag:s13] =	ssyncset.done $0x0  }
0xa2: {  	[sflag:s13] =	ssyncadd.s32 $0xFFFF0000  }
0xa3: {  	_ =	swait.ge [sflag:s13], $0x10000  }
0xa4: {  	[sflag:s13] =	ssyncset.done $0x0  }
0xa5: {  	[sflag:s13] =	ssyncadd.s32 $0xFFFF0000  }
0xa6: {  	_ =	swait.ge [sflag:s13], $0x10000  }
0xa7: {  	[sflag:s13] =	ssyncset.done $0x0  }
0xa8: {  	[sflag:s13] =	ssyncadd.s32 $0xFFFF0000  }
0xa9: {  	_ =	swait.ge [sflag:s13], $0x10000  }
0xaa: {  	[sflag:s13] =	ssyncset.done $0x0  }
0xab: {  	[sflag:s13] =	ssyncadd.s32 $0xFFFF0000  }
0xac: {  	_ =	swait.ge [sflag:s13], $0x10000  }
0xad: {  	[sflag:s13] =	ssyncset.done $0x0  }
0xae: {  	[sflag:s13] =	ssyncadd.s32 $0xFFFF0000  }
0xaf: {  	_ =	swait.ge [sflag:s13], $0x10000  }
0xb0: {  	[sflag:s13] =	ssyncset.done $0x0  }
0xb1: {  	[sflag:s13] =	ssyncadd.s32 $0xFFFF0000  }
0xb2: {  	_ =	swait.ge [sflag:s13], $0x10000  }
0xb3: {  	[sflag:s13] =	ssyncset.done $0x0  }
0xb4: {  	[sflag:s13] =	ssyncadd.s32 $0xFFFF0000  }
0xb5: {  	_ =	swait.ge [sflag:s13], $0x10000  }
0xb6: {  	[sflag:s13] =	ssyncset.done $0x0  }
0xb7: {  	[sflag:s13] =	ssyncadd.s32 $0xFFFF0000  }
0xb8: {  	_ =	swait.ge [sflag:s13], $0x10000  }
0xb9: {  	[sflag:s13] =	ssyncset.done $0x0  }
0xba: {  	[sflag:s13] =	ssyncadd.s32 $0xFFFF0000  }
0xbb: {  	_ =	swait.ge [sflag:s13], $0x10000  }
0xbc: {  	[sflag:s13] =	ssyncset.done $0x0  }
0xbd: {  	[sflag:s13] =	ssyncadd.s32 $0xFFFF0000  }
0xbe: {  	_ =	swait.ge [sflag:s13], $0x10000  }
0xbf: {  	[sflag:s13] =	ssyncset.done $0x0  }
0xc0: {  	[sflag:s13] =	ssyncadd.s32 $0xFFFF0000  }
0xc1: {  	_ =	swait.ge [sflag:s13], $0x10000  }
0xc2: {  	[sflag:s13] =	ssyncset.done $0x0  }
0xc3: {  	[sflag:s13] =	ssyncadd.s32 $0xFFFF0000  }
0xc4: {  	_ =	swait.ge [sflag:s13], $0x10000  }
0xc5: {  	[sflag:s13] =	ssyncset.done $0x0  }
0xc6: {  	[sflag:s13] =	ssyncadd.s32 $0xFFFF0000  }
0xc7: {  	_ =	swait.ge [sflag:s13], $0x10000  }
0xc8: {  	[sflag:s13] =	ssyncset.done $0x0  }
0xc9: {  	[sflag:s13] =	ssyncadd.s32 $0xFFFF0000  }
0xca: {  	_ =	swait.ge [sflag:s13], $0x10000  }
0xcb: {  	[sflag:s13] =	ssyncset.done $0x0  }
0xcc: {  	[sflag:s13] =	ssyncadd.s32 $0xFFFF0000  }
0xcd: {  	_ =	swait.ge [sflag:s13], $0x10000  }
0xce: {  	[sflag:s13] =	ssyncset.done $0x0  }
0xcf: {  	s15 =	simm.s32 $0x0;
	[sflag:s13] =	ssyncadd.s32 $0xFFFF0000  }
0xd0: {  	[tilespmem:s15], [sflag:$0x1] =	stream.linear.gather [hbm4b:s6+s15], $0x12000, $0x38;
	[tilespmem:$0x12000] =	vst v63  }
0xd1: {  	_ =	swait.ge [sflag:s12], $0x12000  }
0xd2: {  	p0 =	por $0x1, $0x1;
	[sflag:s12] =	ssyncset.done $0x0  }
0xd3: {  	s16 =	simm.s32 @!p0 $0x2;
	[sflag:s12] =	ssyncadd.s32 $0xFFFEE000  }
0xd4: {  	s18 =	simm.s32 $0x1F80;
	_ =	swait.ge @!p0 [sflag:s16], $0x10000  }
0xd5: {  	s17 =	sadd.s32 $0x8000, s11;
	s19 =	smov.u32 s11;
	[sflag:s16] =	ssyncset.done @!p0 $0x0  }
0xd6: {  	s15 =	simm.s32 $0x1;
	[sflag:s16] =	ssyncadd.s32 @!p0 $0xFFFF0000;
	s16 =	simm.s32 $0x1F00  }
.LBB2_8:
0xd7: {  	[hbm4b:s19+s2] =	stream.linear.scatter [tilespmem:s18], [sflag:$0x2], $0x10000, $0x38;
	[tilespmem:$0x12000] =	vst v63  }
0xd8: {  	p0 =	slt.u32 s15, $0x10;
	s15 =	sadd.s32 $0x1, s15  }
0xd9: {  	p1 =	sne.s32 s15, $0x40  }
.Ltmp3:
0xda: {  	(pc) =	sbr.rel @p1 .LBB2_8-.Ltmp3, $4  }
0xdb: {  	s18 =	smov.u32 s16;
	s20 =	simm.s32 @!p0 $0x2  }
0xdc: {  	s19 =	smov.u32 s17;
	_ =	swait.ge @!p0 [sflag:s20], $0x10000  }
0xdd: {  	[sflag:s20] =	ssyncset.done @!p0 $0x0  }
0xde: {  	s16 =	sadd.s32 $0xFFFFFF80, s16;
	s17 =	sadd.s32 $0x8000, s17;
	[sflag:s20] =	ssyncadd.s32 @!p0 $0xFFFF0000  }
0xdf: {  	[hbm4b:s19+s2] =	stream.linear.scatter [tilespmem:s18], [sflag:$0x2], $0x10000, $0x38;
	[tilespmem:$0x12000] =	vst v63  }
0xe0: {  	_ =	swait.ge [sflag:s13], $0x10000  }
0xe1: {  	[sflag:s13] =	ssyncset.done $0x0  }
0xe2: {  	[sflag:s13] =	ssyncadd.s32 $0xFFFF0000  }
0xe3: {  	_ =	swait.ge [sflag:s13], $0x10000  }
0xe4: {  	[sflag:s13] =	ssyncset.done $0x0  }
0xe5: {  	[sflag:s13] =	ssyncadd.s32 $0xFFFF0000  }
0xe6: {  	_ =	swait.ge [sflag:s13], $0x10000  }
0xe7: {  	[sflag:s13] =	ssyncset.done $0x0  }
0xe8: {  	[sflag:s13] =	ssyncadd.s32 $0xFFFF0000  }
0xe9: {  	_ =	swait.ge [sflag:s13], $0x10000  }
0xea: {  	[sflag:s13] =	ssyncset.done $0x0  }
0xeb: {  	[sflag:s13] =	ssyncadd.s32 $0xFFFF0000  }
0xec: {  	_ =	swait.ge [sflag:s13], $0x10000  }
0xed: {  	[sflag:s13] =	ssyncset.done $0x0  }
0xee: {  	[sflag:s13] =	ssyncadd.s32 $0xFFFF0000  }
0xef: {  	_ =	swait.ge [sflag:s13], $0x10000  }
0xf0: {  	[sflag:s13] =	ssyncset.done $0x0  }
0xf1: {  	[sflag:s13] =	ssyncadd.s32 $0xFFFF0000  }
0xf2: {  	_ =	swait.ge [sflag:s13], $0x10000  }
0xf3: {  	[sflag:s13] =	ssyncset.done $0x0  }
0xf4: {  	[sflag:s13] =	ssyncadd.s32 $0xFFFF0000  }
0xf5: {  	_ =	swait.ge [sflag:s13], $0x10000  }
0xf6: {  	[sflag:s13] =	ssyncset.done $0x0  }
0xf7: {  	[sflag:s13] =	ssyncadd.s32 $0xFFFF0000  }
0xf8: {  	_ =	swait.ge [sflag:s13], $0x10000  }
0xf9: {  	[sflag:s13] =	ssyncset.done $0x0  }
0xfa: {  	[sflag:s13] =	ssyncadd.s32 $0xFFFF0000  }
0xfb: {  	_ =	swait.ge [sflag:s13], $0x10000  }
0xfc: {  	[sflag:s13] =	ssyncset.done $0x0  }
0xfd: {  	[sflag:s13] =	ssyncadd.s32 $0xFFFF0000  }
0xfe: {  	_ =	swait.ge [sflag:s13], $0x10000  }
0xff: {  	[sflag:s13] =	ssyncset.done $0x0  }
0x100: {  	[sflag:s13] =	ssyncadd.s32 $0xFFFF0000  }
0x101: {  	_ =	swait.ge [sflag:s13], $0x10000  }
0x102: {  	[sflag:s13] =	ssyncset.done $0x0  }
0x103: {  	[sflag:s13] =	ssyncadd.s32 $0xFFFF0000  }
0x104: {  	_ =	swait.ge [sflag:s13], $0x10000  }
0x105: {  	[sflag:s13] =	ssyncset.done $0x0  }
0x106: {  	[sflag:s13] =	ssyncadd.s32 $0xFFFF0000  }
0x107: {  	_ =	swait.ge [sflag:s13], $0x10000  }
0x108: {  	[sflag:s13] =	ssyncset.done $0x0  }
0x109: {  	s14 =	sadd.s32 $0x1, s14;
	[sflag:s13] =	ssyncadd.s32 $0xFFFF0000  }
0x10a: {  	p0 =	sne.s32 s14, s7;
	_ =	swait.ge [sflag:s13], $0x10000  }
.Ltmp4:
0x10b: {  	[sflag:s13] =	ssyncset.done $0x0;
	(pc) =	sbr.rel @p0 .LBB2_1-.Ltmp4, $4  }
0x10c: {  	[sflag:s13] =	ssyncadd.s32 $0xFFFF0000  }
0x10d: {  	_ =	swait.ge [sflag:s13], $0x10000  }
0x10e: {  	[sflag:s13] =	ssyncset.done $0x0  }
0x10f: {  	[sflag:s13] =	ssyncadd.s32 $0xFFFF0000  }
0x110: {  	_ =	sfence.sel $0x180000  }
0x111: {  	[bflag:$0x0] =	sbarrier.arrive $0xFFFF  }
0x112: {  	p0 =	sne.s32 s1, $0x0;
	_ =	strace $0x90000047  }
0x113: {  	s0 =	sadd.s32 @!p0 $0x100000, s0;
	[bflag:$0x2] =	sbarrier.arrive $0xFFFF  }
0x114: {  	[sflag:s0] =	ssyncadd.tile.s32 @!p0 $0x1;
	_ =	shalt  }
.Lfunc_end2:
_tile_overlayer_lowered:
.L_overlay_start_2:
0x115: {  	(tag) =	ssettag $0x2  }
0x116: {  	s0 =	rddreg [dreg:$0x0];
	s2 =	stileid.u32  }
0x117: {  	s1 =	rddreg [dreg:$0x1];
	p0 =	sne.s32 s2, $0x0  }
0x118: {  	s3 =	rddreg [dreg:$0x2];
	[bflag:$0x3] =	sbarrier.arrive $0xFFFF;
	s2 =	simm.s32 @!p0 $0x1C03  }
0x119: {  	[timem:s3], [sflag:s2] =	dma.local @!p0 [hbm:s0], s1  }
0x11a: {  	s0 =	simm.s32 @!p0 $0x3  }
0x11b: {  	_ =	swait.ge @!p0 [sflag:s0], s1  }
0x11c: {  	s1 =	ssub.s32 @!p0 $0x0, s1;
	[sflag:s0] =	ssyncset.done @!p0 $0x0  }
0x11d: {  	[sflag:s0] =	ssyncadd.s32 @!p0 s1  }
0x11e: {  	[bflag:$0x3] =	sbarrier.arrive $0xFFFF  }
0x11f: {  	_ =	shalt  }

</sc_bundles>
